<compile_context>
chip_gen: v7x
topology: tpu7x:2x2x1
jax: 0.10.2.dev20260603
libtpu: 0.0.44.dev20260713+nightly
codegen_flags: <defaults>
</compile_context>

<pallas_src>
import jax
import jax.numpy as jnp
from jax import lax
from jax.experimental import pallas as pl
from jax.experimental.pallas import tpu as pltpu
from jax.experimental.pallas import tpu_sc as plsc

_B = 512
_F = 4 * 64 * 64
_NC, _NS = 2, 16
_NW = _NC * _NS
_BPW = _B // _NW


def _sc_gather(ac, om, t):
    mesh = plsc.VectorSubcoreMesh(core_axis_name="c", subcore_axis_name="s")

    @pl.kernel(
        mesh=mesh,
        out_type=jax.ShapeDtypeStruct((8, _B), jnp.float32),
        scratch_types=[
            pltpu.VMEM((_BPW,), jnp.int32),
            pltpu.VMEM((_BPW,), jnp.float32),
            pltpu.VMEM((_BPW,), jnp.float32),
            pltpu.SemaphoreType.DMA,
            pltpu.SemaphoreType.DMA,
        ],
        compiler_params=pltpu.CompilerParams(use_tc_tiling_on_sc=False),
    )
    def k(ac_hbm, om_hbm, t_hbm, st_hbm, idx_v, a_v, b_v, sem_a, sem_b):
        wid = lax.axis_index("s") * _NC + lax.axis_index("c")
        base = wid * _BPW
        pltpu.sync_copy(t_hbm.at[pl.ds(base, _BPW)], idx_v)
        ca = pltpu.async_copy(ac_hbm.at[idx_v], a_v, sem_a)
        cb = pltpu.async_copy(om_hbm.at[idx_v], b_v, sem_b)
        ca.wait()
        cb.wait()
        pltpu.sync_copy(a_v, st_hbm.at[0, pl.ds(base, _BPW)])
        pltpu.sync_copy(b_v, st_hbm.at[1, pl.ds(base, _BPW)])

    return k(ac, om, t)


def _tc_scale_add(st, x, n):
    rows = 2048
    grid = (_F // rows,)

    def body(st_ref, x_ref, n_ref, o_ref):
        a = st_ref[0:1, :]
        b = st_ref[1:2, :]
        o_ref[...] = a * x_ref[...] + b * n_ref[...]

    return pl.pallas_call(
        body,
        grid=grid,
        in_specs=[
            pl.BlockSpec((8, _B), lambda i: (0, 0)),
            pl.BlockSpec((rows, _B), lambda i: (i, 0)),
            pl.BlockSpec((rows, _B), lambda i: (i, 0)),
        ],
        out_specs=pl.BlockSpec((rows, _B), lambda i: (i, 0)),
        out_shape=jax.ShapeDtypeStruct((_F, _B), jnp.float32),
        compiler_params=pltpu.CompilerParams(
            dimension_semantics=("parallel",),
        ),
    )(st, x, n)


def kernel(x0, t, noise, sqrt_alphas_cumprod, sqrt_one_minus_alphas_cumprod):
    st = _sc_gather(
        sqrt_alphas_cumprod, sqrt_one_minus_alphas_cumprod, t.astype(jnp.int32)
    )
    x = jnp.transpose(x0, (1, 2, 3, 0)).reshape(_F, _B)
    n = jnp.transpose(noise, (1, 2, 3, 0)).reshape(_F, _B)
    out = _tc_scale_add(st, x, n)
    return jnp.transpose(out.reshape(4, 64, 64, _B), (3, 0, 1, 2))

# --- scband reference (transcript-rebuilt; emitter-appended) ---
"""Pipeline reference for scband-cosine-noise-schedule-24859270709581 (READ-ONLY COPY).

The authoritative reference and input builder live on the scoring server;
editing this copy changes nothing except your own understanding.
"""

import jax, jax.numpy as jnp
import numpy as np
import math

T = 1000
S = 0.008

def _make_tables():
    steps = np.arange(T + 1, dtype=np.float64)
    f = np.cos((steps / T + S) / (1.0 + S) * (math.pi / 2.0)) ** 2
    alphas_cumprod = f / f[0]
    betas = np.clip(1.0 - alphas_cumprod[1:] / alphas_cumprod[:-1], a_min=None, a_max=0.999)
    sqrt_ac = np.sqrt(alphas_cumprod[:-1]).astype(np.float32)
    sqrt_om = np.sqrt(1.0 - alphas_cumprod[:-1]).astype(np.float32)
    return sqrt_ac, sqrt_om

def setup_inputs(seed: int = 0) -> dict:
    key = jax.random.key(seed)
    k1, k2, k3 = jax.random.split(key, 3)
    x0 = jax.random.normal(k1, (512, 4, 64, 64), dtype=jnp.float32)
    noise = jax.random.normal(k2, (512, 4, 64, 64), dtype=jnp.float32)
    t = jax.random.randint(k3, (512,), 0, T)
    sqrt_ac, sqrt_om = _make_tables()
    return {
        "x0": x0,
        "t": t,
        "noise": noise,
        "sqrt_alphas_cumprod": jnp.asarray(sqrt_ac),
        "sqrt_one_minus_alphas_cumprod": jnp.asarray(sqrt_om),
    }

def reference(x0, t, noise, sqrt_alphas_cumprod, sqrt_one_minus_alphas_cumprod):
    # embedding-style gather of per-timestep scalars from the schedule tables
    sqrt_alpha = jnp.take(sqrt_alphas_cumprod, t, axis=0)
    sqrt_one_minus = jnp.take(sqrt_one_minus_alphas_cumprod, t, axis=0)
    # broadcast [B] -> [B, 1, 1, 1] to match x0 rank (mirrors the while-unsqueeze loop)
    extra = x0.ndim - sqrt_alpha.ndim
    sqrt_alpha = sqrt_alpha.reshape(sqrt_alpha.shape + (1,) * extra)
    sqrt_one_minus = sqrt_one_minus.reshape(sqrt_one_minus.shape + (1,) * extra)
    return sqrt_alpha * x0 + sqrt_one_minus * noise

if __name__ == "__main__":
    import jax
    _d = setup_inputs()
    print(jax.jit(kernel)(*tuple(_d.values())))

</pallas_src>

<mosaic_0001>
#map = affine_map<(d0, d1) -> (0)>
#map1 = affine_map<(d0, d1) -> (0, 0)>
module attributes {stable_mosaic.version = 14 : i64} {
  func.func @k(%arg0: i32, %arg1: i32, %arg2: memref<1000xf32, #tpu.memory_space<hbm>>, %arg3: memref<1000xf32, #tpu.memory_space<hbm>>, %arg4: memref<512xi32, #tpu.memory_space<hbm>>, %arg5: memref<8x512xf32, #tpu.memory_space<hbm>>, %arg6: memref<16xi32, #tpu.memory_space<vmem>>, %arg7: memref<16xf32, #tpu.memory_space<vmem>>, %arg8: memref<16xf32, #tpu.memory_space<vmem>>, %arg9: memref<!tpu.dma_semaphore, #tpu.memory_space<semaphore_mem>>, %arg10: memref<!tpu.dma_semaphore, #tpu.memory_space<semaphore_mem>>) attributes {dimension_semantics = [#tpu.dimension_semantics<core_parallel>, #tpu.dimension_semantics<subcore_parallel>], iteration_bounds = array<i64: 2, 16>, scalar_prefetch = 0 : i64, scratch_operands = 5 : i64, tpu.core_type = #tpu.core_type<sc_vector_subcore>, window_params = [{transform_indices = #map}, {transform_indices = #map}, {transform_indices = #map}, {transform_indices = #map1}]} {
    %mul3A = arith.constant 2 : i32
    %mul3A_0 = arith.muli %arg1, %mul3A : i32
    %add3A = arith.addi %mul3A_0, %arg0 : i32
    %mul3A_1 = arith.constant 16 : i32
    %mul3A_2 = arith.muli %add3A, %mul3A_1 : i32
    "tpu.region"() ({
      %run_scoped3A_10 = tpu.sem_alloc : memref<!tpu.dma_semaphore, #tpu.memory_space<semaphore_mem>>
      %dma_start3A_11 = tpu.memref_slice %arg4[%mul3A_2] : memref<512xi32, #tpu.memory_space<hbm>> -> memref<16xi32, #tpu.memory_space<hbm>>
      %dma_start3A_12 = tpu.memref_slice %arg4[%mul3A_2] : memref<512xi32, #tpu.memory_space<hbm>> -> memref<16xi32, #tpu.memory_space<hbm>>
      tpu.enqueue_dma source(%dma_start3A_12 : memref<16xi32, #tpu.memory_space<hbm>>) target(%arg6 : memref<16xi32, #tpu.memory_space<vmem>>) target_semaphore(%run_scoped3A_10 : memref<!tpu.dma_semaphore, #tpu.memory_space<semaphore_mem>>)
      %dma_wait3A_13 = tpu.memref_slice %arg4[%mul3A_2] : memref<512xi32, #tpu.memory_space<hbm>> -> memref<16xi32, #tpu.memory_space<hbm>>
      %dma_wait3A_14 = tpu.memref_slice %arg4[%mul3A_2] : memref<512xi32, #tpu.memory_space<hbm>> -> memref<16xi32, #tpu.memory_space<hbm>>
      tpu.wait_dma2 semaphore(%run_scoped3A_10 : memref<!tpu.dma_semaphore, #tpu.memory_space<semaphore_mem>>) src(%dma_wait3A_14 : memref<16xi32, #tpu.memory_space<hbm>>) dst(%arg6 : memref<16xi32, #tpu.memory_space<vmem>>)
      tpu.yield
    }) : () -> ()
    %dma_start3A = arith.constant 0 : i32
    %dma_start3A_3 = tpu.memref_slice %arg2[%dma_start3A] : memref<1000xf32, #tpu.memory_space<hbm>> -> memref<1000xf32, #tpu.memory_space<hbm>>
    tpu.enqueue_indirect_dma source(%dma_start3A_3 : memref<1000xf32, #tpu.memory_space<hbm>>) target(%arg7 : memref<16xf32, #tpu.memory_space<vmem>>) offsets(%arg6 : memref<16xi32, #tpu.memory_space<vmem>>) semaphore(%arg9 : memref<!tpu.dma_semaphore, #tpu.memory_space<semaphore_mem>>)
    %dma_start3A_4 = arith.constant 0 : i32
    %dma_start3A_5 = tpu.memref_slice %arg3[%dma_start3A_4] : memref<1000xf32, #tpu.memory_space<hbm>> -> memref<1000xf32, #tpu.memory_space<hbm>>
    tpu.enqueue_indirect_dma source(%dma_start3A_5 : memref<1000xf32, #tpu.memory_space<hbm>>) target(%arg8 : memref<16xf32, #tpu.memory_space<vmem>>) offsets(%arg6 : memref<16xi32, #tpu.memory_space<vmem>>) semaphore(%arg10 : memref<!tpu.dma_semaphore, #tpu.memory_space<semaphore_mem>>)
    %dma_wait3A = arith.constant 0 : i32
    %dma_wait3A_6 = tpu.memref_slice %arg2[%dma_wait3A] : memref<1000xf32, #tpu.memory_space<hbm>> -> memref<1000xf32, #tpu.memory_space<hbm>>
    tpu.wait_indirect_dma semaphore(%arg9 : memref<!tpu.dma_semaphore, #tpu.memory_space<semaphore_mem>>) src(%dma_wait3A_6 : memref<1000xf32, #tpu.memory_space<hbm>>) dst(%arg7 : memref<16xf32, #tpu.memory_space<vmem>>)
    %dma_wait3A_7 = arith.constant 0 : i32
    %dma_wait3A_8 = tpu.memref_slice %arg3[%dma_wait3A_7] : memref<1000xf32, #tpu.memory_space<hbm>> -> memref<1000xf32, #tpu.memory_space<hbm>>
    tpu.wait_indirect_dma semaphore(%arg10 : memref<!tpu.dma_semaphore, #tpu.memory_space<semaphore_mem>>) src(%dma_wait3A_8 : memref<1000xf32, #tpu.memory_space<hbm>>) dst(%arg8 : memref<16xf32, #tpu.memory_space<vmem>>)
    %run_scoped3A = arith.constant 0 : i32
    "tpu.region"() ({
      %run_scoped3A_10 = tpu.sem_alloc : memref<!tpu.dma_semaphore, #tpu.memory_space<semaphore_mem>>
      %dma_start3A_11 = tpu.memref_slice %arg5[%run_scoped3A, %mul3A_2] : memref<8x512xf32, #tpu.memory_space<hbm>> -> memref<1x16xf32, #tpu.memory_space<hbm>>
      %dma_start3A_12 = tpu.memref_squeeze %dma_start3A_11 : memref<1x16xf32, #tpu.memory_space<hbm>> -> memref<16xf32, #tpu.memory_space<hbm>>
      %dma_start3A_13 = tpu.memref_slice %arg5[%run_scoped3A, %mul3A_2] : memref<8x512xf32, #tpu.memory_space<hbm>> -> memref<1x16xf32, #tpu.memory_space<hbm>>
      %dma_start3A_14 = tpu.memref_squeeze %dma_start3A_13 : memref<1x16xf32, #tpu.memory_space<hbm>> -> memref<16xf32, #tpu.memory_space<hbm>>
      tpu.enqueue_dma source(%arg7 : memref<16xf32, #tpu.memory_space<vmem>>) target(%dma_start3A_14 : memref<16xf32, #tpu.memory_space<hbm>>) target_semaphore(%run_scoped3A_10 : memref<!tpu.dma_semaphore, #tpu.memory_space<semaphore_mem>>)
      %dma_wait3A_15 = tpu.memref_slice %arg5[%run_scoped3A, %mul3A_2] : memref<8x512xf32, #tpu.memory_space<hbm>> -> memref<1x16xf32, #tpu.memory_space<hbm>>
      %dma_wait3A_16 = tpu.memref_squeeze %dma_wait3A_15 : memref<1x16xf32, #tpu.memory_space<hbm>> -> memref<16xf32, #tpu.memory_space<hbm>>
      %dma_wait3A_17 = tpu.memref_slice %arg5[%run_scoped3A, %mul3A_2] : memref<8x512xf32, #tpu.memory_space<hbm>> -> memref<1x16xf32, #tpu.memory_space<hbm>>
      %dma_wait3A_18 = tpu.memref_squeeze %dma_wait3A_17 : memref<1x16xf32, #tpu.memory_space<hbm>> -> memref<16xf32, #tpu.memory_space<hbm>>
      tpu.wait_dma2 semaphore(%run_scoped3A_10 : memref<!tpu.dma_semaphore, #tpu.memory_space<semaphore_mem>>) src(%arg7 : memref<16xf32, #tpu.memory_space<vmem>>) dst(%dma_wait3A_18 : memref<16xf32, #tpu.memory_space<hbm>>)
      tpu.yield
    }) : () -> ()
    %run_scoped3A_9 = arith.constant 1 : i32
    "tpu.region"() ({
      %run_scoped3A_10 = tpu.sem_alloc : memref<!tpu.dma_semaphore, #tpu.memory_space<semaphore_mem>>
      %dma_start3A_11 = tpu.memref_slice %arg5[%run_scoped3A_9, %mul3A_2] : memref<8x512xf32, #tpu.memory_space<hbm>> -> memref<1x16xf32, #tpu.memory_space<hbm>>
      %dma_start3A_12 = tpu.memref_squeeze %dma_start3A_11 : memref<1x16xf32, #tpu.memory_space<hbm>> -> memref<16xf32, #tpu.memory_space<hbm>>
      %dma_start3A_13 = tpu.memref_slice %arg5[%run_scoped3A_9, %mul3A_2] : memref<8x512xf32, #tpu.memory_space<hbm>> -> memref<1x16xf32, #tpu.memory_space<hbm>>
      %dma_start3A_14 = tpu.memref_squeeze %dma_start3A_13 : memref<1x16xf32, #tpu.memory_space<hbm>> -> memref<16xf32, #tpu.memory_space<hbm>>
      tpu.enqueue_dma source(%arg8 : memref<16xf32, #tpu.memory_space<vmem>>) target(%dma_start3A_14 : memref<16xf32, #tpu.memory_space<hbm>>) target_semaphore(%run_scoped3A_10 : memref<!tpu.dma_semaphore, #tpu.memory_space<semaphore_mem>>)
      %dma_wait3A_15 = tpu.memref_slice %arg5[%run_scoped3A_9, %mul3A_2] : memref<8x512xf32, #tpu.memory_space<hbm>> -> memref<1x16xf32, #tpu.memory_space<hbm>>
      %dma_wait3A_16 = tpu.memref_squeeze %dma_wait3A_15 : memref<1x16xf32, #tpu.memory_space<hbm>> -> memref<16xf32, #tpu.memory_space<hbm>>
      %dma_wait3A_17 = tpu.memref_slice %arg5[%run_scoped3A_9, %mul3A_2] : memref<8x512xf32, #tpu.memory_space<hbm>> -> memref<1x16xf32, #tpu.memory_space<hbm>>
      %dma_wait3A_18 = tpu.memref_squeeze %dma_wait3A_17 : memref<1x16xf32, #tpu.memory_space<hbm>> -> memref<16xf32, #tpu.memory_space<hbm>>
      tpu.wait_dma2 semaphore(%run_scoped3A_10 : memref<!tpu.dma_semaphore, #tpu.memory_space<semaphore_mem>>) src(%arg8 : memref<16xf32, #tpu.memory_space<vmem>>) dst(%dma_wait3A_18 : memref<16xf32, #tpu.memory_space<hbm>>)
      tpu.yield
    }) : () -> ()
    return
  }
}

module attributes {stable_mosaic.version = 14 : i64} {
  func.func @body(%arg0: i32, %arg1: memref<8x512xf32, #tpu.memory_space<vmem>>, %arg2: memref<2048x512xf32, #tpu.memory_space<vmem>>, %arg3: memref<2048x512xf32, #tpu.memory_space<vmem>>, %arg4: memref<2048x512xf32, #tpu.memory_space<vmem>>) attributes {dimension_semantics = [#tpu.dimension_semantics<parallel>], iteration_bounds = array<i64: 8>, scalar_prefetch = 0 : i64, scratch_operands = 0 : i64, tpu.core_type = #tpu.core_type<tc>, window_params = [{pipeline_mode = #tpu.pipeline_mode<synchronous>, transform_indices = @transform_0, window_bounds = array<i64: 8, 512>}, {transform_indices = @transform_1, window_bounds = array<i64: 2048, 512>}, {transform_indices = @transform_2, window_bounds = array<i64: 2048, 512>}, {transform_indices = @transform_3, window_bounds = array<i64: 2048, 512>}]} {
    %get3A = arith.constant 0 : index
    %get3A_0 = arith.constant 0 : index
    %get3A_1 = vector.load %arg1[%get3A, %get3A_0] : memref<8x512xf32, #tpu.memory_space<vmem>>, vector<1x512xf32>
    %get3A_2 = arith.constant 1 : index
    %get3A_3 = arith.constant 0 : index
    %get3A_4 = vector.load %arg1[%get3A_2, %get3A_3] : memref<8x512xf32, #tpu.memory_space<vmem>>, vector<1x512xf32>
    %get3A_5 = arith.constant 0 : index
    %get3A_6 = arith.constant 0 : index
    %get3A_7 = vector.load %arg2[%get3A_5, %get3A_6] : memref<2048x512xf32, #tpu.memory_space<vmem>>, vector<2048x512xf32>
    %mul3A = vector.broadcast %get3A_1 : vector<1x512xf32> to vector<2048x512xf32>
    %mul3A_8 = arith.mulf %mul3A, %get3A_7 : vector<2048x512xf32>
    %get3A_9 = arith.constant 0 : index
    %get3A_10 = arith.constant 0 : index
    %get3A_11 = vector.load %arg3[%get3A_9, %get3A_10] : memref<2048x512xf32, #tpu.memory_space<vmem>>, vector<2048x512xf32>
    %mul3A_12 = vector.broadcast %get3A_4 : vector<1x512xf32> to vector<2048x512xf32>
    %mul3A_13 = arith.mulf %mul3A_12, %get3A_11 : vector<2048x512xf32>
    %add3A = arith.addf %mul3A_8, %mul3A_13 : vector<2048x512xf32>
    %swap3A = arith.constant 0 : index
    %swap3A_14 = arith.constant 0 : index
    %swap3A_15 = vector.load %arg4[%swap3A, %swap3A_14] : memref<2048x512xf32, #tpu.memory_space<vmem>>, vector<2048x512xf32>
    tpu.vector_store %arg4[%swap3A, %swap3A_14], %add3A {strides = array<i32>} : memref<2048x512xf32, #tpu.memory_space<vmem>>, vector<2048x512xf32>,
    return
  }
  func.func @transform_0(%arg0: i32) -> (i32, i32) {
    %c0_i32 = arith.constant 0 : i32
    %c0_i32_0 = arith.constant 0 : i32
    %c0_i32_1 = arith.constant 0 : i32
    return %c0_i32, %c0_i32_0 : i32, i32
  }
  func.func @transform_1(%arg0: i32) -> (i32, i32) {
    %c0_i32 = arith.constant 0 : i32
    %c0_i32_0 = arith.constant 0 : i32
    return %arg0, %c0_i32 : i32, i32
  }
  func.func @transform_2(%arg0: i32) -> (i32, i32) {
    %c0_i32 = arith.constant 0 : i32
    %c0_i32_0 = arith.constant 0 : i32
    return %arg0, %c0_i32 : i32, i32
  }
  func.func @transform_3(%arg0: i32) -> (i32, i32) {
    %c0_i32 = arith.constant 0 : i32
    %c0_i32_0 = arith.constant 0 : i32
    return %arg0, %c0_i32 : i32, i32
  }
}

</mosaic_0001>

<sc_bundles>
// kernel: kernel.4.cloned.1.call-start
scs
__scs_entry_jumppad:
0x0: {  	(pc) =	sbr.rel $0x88, $3  }
0x1: {  	(tag) =	ssettag $0x0;
	lr =	simm.s32 $0x1  }
0x2: {  	[smem:$0x3F9C] =	sst lr;
	_ =	strace $0xD0000000  }
0x3: {  	_ = 	snop  }
0x4: {  	_ = 	snop  }
0x5: {  	_ = 	snop  }
0x6: {  	_ = 	snop  }
0x7: {  	_ = 	snop  }
__scs_overlays_trampoline_lowered:
0x8: {  	[smem:$0x3FAB] =	sst s0  }
0x9: {  	[smem:$0x3FAC] =	sst s1  }
0xa: {  	[smem:$0x3FAD] =	sst s2  }
0xb: {  	[smem:$0x3FAE] =	sst s3  }
0xc: {  	[smem:$0x3FAF] =	sst s4  }
0xd: {  	[smem:$0x3FB0] =	sst s5  }
0xe: {  	[smem:$0x3FB1] =	sst s6  }
0xf: {  	[smem:$0x3FB2] =	sst s7  }
0x10: {  	[smem:$0x3FB3] =	sst s8  }
0x11: {  	[smem:$0x3FB4] =	sst s9;
	s0 =	simm.s32 @!p0 $0x0  }
0x12: {  	s1 =	sld [smem:$0x3F9A];
	s0 =	simm.s32 @p0 $0x1  }
0x13: {  	[smem:$0x3FB5] =	sst s0;
	s0 =	simm.s32 @!p1 $0x0  }
0x14: {  	s2 =	sld [smem:$0x3F99];
	s0 =	simm.s32 @p1 $0x1  }
0x15: {  	[smem:$0x3FB6] =	sst s0;
	s0 =	simm.s32 @!p2 $0x0  }
0x16: {  	s3 =	sld [smem:$0x3FDB];
	s0 =	simm.s32 @p2 $0x1  }
0x17: {  	s4 =	simm.s32 $0x1BF5;
	[smem:$0x3FB8] =	sst s0  }
0x18: {  	s0 =	sld [smem:$0x3F9B];
	_ =	swait.ge [sflag:s4], $0x0  }
0x19: {  	s7 =	sld [smem:$0x3F9C]  }
0x1a: {  	s8 =	sadd.s32 $0xFFFFE003, lr  }
0x1b: {  	s9 =	sadd.s32 $0xFFFFFEF7, lr;
	s5 =	simm.s32 $0xFFFFFFFF;
	p2 =	slt.u32 s8, $0xFFFFF086  }
0x1c: {  	p1 =	slt.u32 s9, $0xF7A;
	s5 =	simm.s32 @!p2 $0x0  }
0x1d: {  	s5 =	simm.s32 @p1 $0x1;
	p0 =	seq.s32 s7, s2  }
0x1e: {  	s7 =	smul.u32 @!p0 $0xF7A, s2;
	p2 =	seq.s32 @!p0 s5, $0x0  }
0x1f: {  	s9 =	smul.u32 $0xF7A, s1;
	s8 =	simm.s32 @!p0 $0x1BF5;
	p2 =	por !p2, p0  }
0x20: {  	[sflag:s8] =	ssyncset.s32 @!p0 $0xFFFFF086;
	s6 =	sadd.s32 @!p0 s3, s7;
	s7 =	simm.s32 @!p0 $0x108  }
0x21: {  	s3 =	sadd.s32 s3, s9;
	s6 =	sadd.s32 @!p0 $0x88, s6;
	s7 =	simm.s32 @p2 $0x1082  }
0x22: {  	[simem:s7], [sflag:s8] =	dma.local @!p0 [hbm:s6], $0xF7A  }
0x23: {  	s9 =	sor.u32 $0xD0000000, s2;
	s6 =	simm.s32 $0x108;
	_ =	swait.ge @!p0 [sflag:s8], $0x0  }
0x24: {  	s3 =	sadd.s32 $0x88, s3;
	s6 =	simm.s32 @!p1 $0x1082;
	[sflag:s4] =	ssyncset.s32 $0xFFFFF086  }
0x25: {  	[simem:s6], [sflag:s4] =	dma.local [hbm:s3], $0xF7A  }
0x26: {  	[smem:$0x3F9C] =	sst s1;
	(tag) =	ssettag s2;
	_ =	strace s9  }
0x27: {  	s1 =	sld [smem:$0x3FAC]  }
0x28: {  	s2 =	sld [smem:$0x3FAD]  }
0x29: {  	s4 =	sld [smem:$0x3FAF]  }
0x2a: {  	p0 =	seq.s32 s5, $0x0;
	s5 =	sld [smem:$0x3FB0]  }
0x2b: {  	s6 =	sld [smem:$0x3FB1]  }
0x2c: {  	s7 =	sld [smem:$0x3FB2]  }
0x2d: {  	s3 =	simm.s32 $0x108;
	s8 =	sld [smem:$0x3FB3]  }
0x2e: {  	s3 =	simm.s32 @!p0 $0x1082;
	s9 =	sld [smem:$0x3FB4]  }
0x2f: {  	lr =	sadd.s32 s0, s3;
	s0 =	sld [smem:$0x3FAB]  }
0x30: {  	s3 =	sld [smem:$0x3FAE]  }
0x31: {  	[smem:$0x3FB7] =	sst s10  }
0x32: {  	s10 =	sld [smem:$0x3FB5];
	_ =	sdelay $0x3  }
0x33: {  	p0 =	seq.s32 s10, $0x1;
	s10 =	sld [smem:$0x3FB7];
	_ =	sdelay $0x3  }
0x34: {  	[smem:$0x3FB7] =	sst s10  }
0x35: {  	s10 =	sld [smem:$0x3FB6];
	_ =	sdelay $0x3  }
0x36: {  	p1 =	seq.s32 s10, $0x1;
	s10 =	sld [smem:$0x3FB7];
	_ =	sdelay $0x3  }
0x37: {  	[smem:$0x3FB7] =	sst s10  }
0x38: {  	s10 =	sld [smem:$0x3FB8]  }
0x39: {  	_ = 	snop;
	(pc) =	sbr.ind lr, $3  }
0x3a: {  	_ = 	snop  }
0x3b: {  	_ = 	snop  }
0x3c: {  	p2 =	seq.s32 s10, $0x1;
	s10 =	sld [smem:$0x3FB7]  }
0x3d: {  	_ =	shalt  }
0x3e: {  	_ =	shalt  }
0x3f: {  	_ =	shalt  }
0x40: {  	_ =	shalt  }
0x41: {  	_ =	shalt  }
0x42: {  	_ =	shalt  }
0x43: {  	_ =	shalt  }
0x44: {  	_ =	shalt  }
0x45: {  	_ =	shalt  }
0x46: {  	_ =	shalt  }
0x47: {  	_ =	shalt  }
0x48: {  	_ =	shalt  }
0x49: {  	_ =	shalt  }
0x4a: {  	_ =	shalt  }
0x4b: {  	_ =	shalt  }
0x4c: {  	_ =	shalt  }
0x4d: {  	_ =	shalt  }
0x4e: {  	_ =	shalt  }
0x4f: {  	_ =	shalt  }
0x50: {  	_ =	shalt  }
0x51: {  	_ =	shalt  }
0x52: {  	_ =	shalt  }
0x53: {  	_ =	shalt  }
0x54: {  	_ =	shalt  }
0x55: {  	_ =	shalt  }
0x56: {  	_ =	shalt  }
0x57: {  	_ =	shalt  }
0x58: {  	_ =	shalt  }
0x59: {  	_ =	shalt  }
0x5a: {  	_ =	shalt  }
0x5b: {  	_ =	shalt  }
0x5c: {  	_ =	shalt  }
0x5d: {  	_ =	shalt  }
0x5e: {  	_ =	shalt  }
0x5f: {  	_ =	shalt  }
0x60: {  	_ =	shalt  }
0x61: {  	_ =	shalt  }
0x62: {  	_ =	shalt  }
0x63: {  	_ =	shalt  }
0x64: {  	_ =	shalt  }
0x65: {  	_ =	shalt  }
0x66: {  	_ =	shalt  }
0x67: {  	_ =	shalt  }
0x68: {  	_ =	shalt  }
0x69: {  	_ =	shalt  }
0x6a: {  	_ =	shalt  }
0x6b: {  	_ =	shalt  }
0x6c: {  	_ =	shalt  }
0x6d: {  	_ =	shalt  }
0x6e: {  	_ =	shalt  }
0x6f: {  	_ =	shalt  }
0x70: {  	_ =	shalt  }
0x71: {  	_ =	shalt  }
0x72: {  	_ =	shalt  }
0x73: {  	_ =	shalt  }
0x74: {  	_ =	shalt  }
0x75: {  	_ =	shalt  }
0x76: {  	_ =	shalt  }
0x77: {  	_ =	shalt  }
0x78: {  	_ =	shalt  }
0x79: {  	_ =	shalt  }
0x7a: {  	_ =	shalt  }
0x7b: {  	_ =	shalt  }
0x7c: {  	_ =	shalt  }
0x7d: {  	_ =	shalt  }
0x7e: {  	_ =	shalt  }
0x7f: {  	_ =	shalt  }
0x80: {  	_ =	shalt  }
0x81: {  	_ =	shalt  }
0x82: {  	_ =	shalt  }
0x83: {  	_ =	shalt  }
0x84: {  	_ =	shalt  }
0x85: {  	_ =	shalt  }
0x86: {  	_ =	shalt  }
0x87: {  	_ =	shalt  }
.Lfunc_end0:
.L_simem_size_0:
called_computation_lowered:
.L_overlay_start_0:
0x88: {  	s2 =	sld [smem:$0x3FD9]  }
0x89: {  	s3 =	sld [smem:$0x3FFE];
	_ =	sdelay $0x1  }
0x8a: {  	s1 =	srdreg.scid  }
0x8b: {  	s0 =	sand.u32 $0x1, s1  }
0x8c: {  	s18 =	sshll.u32 s0, $0xA;
	s2 =	sadd.s32 s3, s2  }
0x8d: {  	s2 =	sadd.s32 s2, s18  }
0x8e: {  	[smem:$0x3FC3] =	sst s2  }
0x8f: {  	_ = 	snop  }
0x90: {  	s2 =	sld [smem:$0x3FC8]  }
0x91: {  	s19 =	sld [smem:$0x3FC6]  }
0x92: {  	s4 =	sld [smem:$0x3FC5]  }
0x93: {  	s5 =	sld [smem:$0x3FD0];
	(tm) =	ssettm $0x1  }
0x94: {  	s6 =	sld [smem:$0x3FFB];
	_ =	sdelay $0x3  }
0x95: {  	_ =	strace s6  }
0x96: {  	s6 =	sld [smem:$0x3FFC];
	_ =	sdelay $0x3  }
0x97: {  	_ =	strace s6  }
0x98: {  	s6 =	sld [smem:$0x3FFD];
	_ =	sdelay $0x3  }
0x99: {  	_ =	strace s6  }
0x9a: {  	_ =	strace $0x8FFFFFFF  }
0x9b: {  	s20 =	sld [smem:$0x3FDB];
	_ =	sdelay $0x1  }
0x9c: {  	s7 =	simm.s32 $_scs_section_size  }
0x9d: {  	s8 =	simm.s32 $_size__tile_overlayer_lowered;
	s9 =	simm.s32 $_tile_overlayer_lowered  }
0x9e: {  	s23 =	simm.s32 $0x1BFF;
	s22 =	sshll.u32 s9, $0x1;
	s6 =	sadd.s32 s7, s20  }
0x9f: {  	s10 =	simm.s32 $0x0;
	s21 =	sshll.u32 s8, $0x1;
	s8 =	sadd.s32 s22, s6  }
0xa0: {  	[timem:s10], [sflag:s23] =	dma.local [hbm:s8], s21  }
0xa1: {  	_ =	swait.ge [sflag:s23], s21  }
0xa2: {  	s7 =	ssub.s32 $0x0, s21;
	[sflag:s23] =	ssyncset.done $0x0  }
0xa3: {  	[sflag:s23] =	ssyncadd.s32 s7;
	_ =	sdelay $0x1  }
0xa4: {  	s24 =	simm.s32 $0x1B8B  }
0xa5: {  	_ =	swait.ge [sflag:s24], $0x1  }
0xa6: {  	[sflag:s24] =	ssyncset.done $0x0  }
0xa7: {  	s25 =	simm.s32 $0x1B8E;
	[sflag:s24] =	ssyncadd.s32 $0xFFFFFFFF  }
0xa8: {  	s26 =	simm.s32 $execute0_lowered;
	[smem:$0x3FD2] =	sst s25  }
0xa9: {  	s7 =	sshll.u32 s26, $0x1;
	_ =	strace $0x80000046;
	[dreg:$0x1] =	wrdreg $0xFFFFFFFF  }
0xaa: {  	s28 =	simm.s32 $_size_execute0_lowered;
	s6 =	sadd.s32 s6, s7;
	[dreg:$0x0] =	wrdreg $0x0  }
0xab: {  	s7 =	sshll.u32 s28, $0x1;
	[dreg:$0x2] =	wrdreg s6  }
0xac: {  	[dreg:$0x3] =	wrdreg s7  }
0xad: {  	[dreg:$0x4] =	wrdreg $0xC0  }
0xae: {  	_ =	task [dreg:s10], $0x5FFFF  }
0xaf: {  	[dreg:$0x1] =	wrdreg $0xFFFFFFFF  }
0xb0: {  	[dreg:$0x0] =	wrdreg $0x60  }
0xb1: {  	[dreg:$0x2] =	wrdreg s19  }
0xb2: {  	[dreg:$0x3] =	wrdreg s4  }
0xb3: {  	[dreg:$0x4] =	wrdreg s2  }
0xb4: {  	[dreg:$0x5] =	wrdreg s5  }
0xb5: {  	[dreg:$0x6] =	wrdreg $0x9  }
0xb6: {  	_ =	task.clear_ibuf [dreg:s10], $0x7FFFF;
	_ =	strace $0x90000046  }
0xb7: {  	s29 =	simm.s32 $0x9;
	_ =	strace $0x80000048  }
0xb8: {  	_ =	swait.ge [sflag:s29], $0x1  }
0xb9: {  	[sflag:s29] =	ssyncadd.s32 $0xFFFFFFFF  }
0xba: {  	_ =	strace $0x90000048  }
0xbb: {  	_ =	sfence  }
0xbc: {  	s30 =	sld [smem:$0x0];
	_ =	sdelay $0x2  }
0xbd: {  	s31 =	sshll.u32 s1, $0xD;
	s1 =	sshrl.u32 s1, $0x2  }
0xbe: {  	s3 =	sand.u32 $0x4000, s31;
	s1 =	sadd.s32 s1, s30  }
0xbf: {  	s0 =	sor.u32 s3, s0;
	s1 =	sshll.u32 s1, $0x11  }
0xc0: {  	s0 =	sor.u32 s1, s0  }
0xc1: {  	s0 =	sadd.s32 $0x8F2B, s0  }
0xc2: {  	[sflag:s0] =	ssyncadd.remote.s32 $0x1  }
0xc3: {  	_ =	sfence.sel $0xFFFF  }
0xc4: {  	[dreg:$0x0] =	wrdreg $0xFFFFFFFF;
	(pc) =	sbr.abs _section_cstart, $3  }
0xc5: {  	[dreg:$0x1] =	wrdreg $0xFFFFFFFF  }
0xc6: {  	_ =	task.clear_ibuf [dreg:s10], $0x2FFFF;
	_ =	strace $0x9FFFFFFF  }
0xc7: {  	(tm) =	ssettm $0x7FFFFFFF  }
tec
execute0_lowered:
.L_overlay_start_1:
0x0: {  	(tag) =	ssettag $0x1  }
0x1: {  	s1 =	rddreg [dreg:$0x0]  }
0x2: {  	s3 =	rddreg [dreg:$0x1]  }
0x3: {  	s5 =	rddreg [dreg:$0x2]  }
0x4: {  	s11 =	rddreg [dreg:$0x3];
	s4 =	srdreg.scid  }
0x5: {  	s0 =	rddreg [dreg:$0x4];
	s2 =	stileid.u32;
	s12 =	sand.u32 $0x1, s4  }
0x6: {  	s4 =	simm.s32 $0x0;
	s6 =	sshll.u32 s2, $0x2;
	s7 =	sshll.u32 s12, $0x1  }
0x7: {  	[smem:$0x7FF] =	sst s4;
	s13 =	sor.u32 s7, s6  }
0x8: {  	_ =	strace $0x80000047;
	s6 =	sadd.s32 s5, s13;
	s5 =	simm.s32 $0x3  }
0x9: {  	[tilespmem:s4], [sflag:$0x3] =	stream.linear.gather [hbm4b:s6+s4], $0x10, $0x38;
	[tilespmem:$0x30] =	vst v63  }
0xa: {  	_ =	swait.ge [sflag:s5], $0x10  }
0xb: {  	[sflag:s5] =	ssyncset.done $0x0  }
0xc: {  	s7 =	simm.s32 $0x10;
	[sflag:s5] =	ssyncadd.s32 $0xFFFFFFF0  }
0xd: {  	[tilespmem:s7], [sflag:$0x1] =	stream.indirect.gather [hbm4b:s1+s7], $0x1, s4, s7, $0xb8;
	[tilespmem:$0x30] =	vst v63  }
0xe: {  	s8 =	simm.s32 $0x20;
	s9 =	simm.s32 $0x1  }
0xf: {  	[tilespmem:s8], [sflag:$0x2] =	stream.indirect.gather [hbm4b:s3+s7], $0x1, s4, s7, $0xb8;
	[tilespmem:$0x30] =	vst v63  }
0x10: {  	_ =	swait.ge [sflag:s9], $0x10  }
0x11: {  	[sflag:s9] =	ssyncset.done $0x0  }
0x12: {  	s10 =	simm.s32 $0x2;
	s12 =	ssub.s32 $0x2, s12;
	[sflag:s9] =	ssyncadd.s32 $0xFFFFFFF0  }
0x13: {  	s31 =	sshrl.u32 s12, $0x1;
	_ =	swait.ge [sflag:s10], $0x10  }
0x14: {  	s11 =	sadd.s32 s11, s13;
	s13 =	ssub.s32 s12, s31;
	[sflag:s10] =	ssyncset.done $0x0  }
0x15: {  	s13 =	smax.u32 s13, $0x1;
	[sflag:s10] =	ssyncadd.s32 $0xFFFFFFF0  }
0x16: {  	[hbm4b:s11+s4] =	stream.linear.scatter [tilespmem:s7], [sflag:$0x3], $0x10, $0x38;
	[tilespmem:$0x30] =	vst v63  }
0x17: {  	p0 =	sne.s32 s13, $0x1;
	_ =	swait.ge [sflag:s5], $0x10  }
.Ltmp0:
0x18: {  	[sflag:s5] =	ssyncset.done $0x0;
	(pc) =	sbr.rel @!p0 .LBB2_2-.Ltmp0, $4  }
0x19: {  	s12 =	sadd.s32 $0x40, s11;
	[sflag:s5] =	ssyncadd.s32 $0xFFFFFFF0  }
0x1a: {  	[hbm4b:s12+s4] =	stream.linear.scatter [tilespmem:s8], [sflag:$0x3], $0x10, $0x38;
	[tilespmem:$0x30] =	vst v63  }
0x1b: {  	_ =	swait.ge [sflag:s5], $0x10  }
0x1c: {  	s13 =	sadd.s32 $0xFFFFFFFF, s13;
	[sflag:s5] =	ssyncset.done $0x0  }
.LBB2_1:
0x1d: {  	p0 =	sne.s32 s13, $0x1;
	s13 =	sadd.s32 $0xFFFFFFFF, s13;
	[sflag:s5] =	ssyncadd.s32 $0xFFFFFFF0  }
0x1e: {  	[tilespmem:s4], [sflag:$0x3] =	stream.linear.gather [hbm4b:s6+s4], $0x10, $0x38;
	[tilespmem:$0x30] =	vst v63  }
0x1f: {  	_ =	swait.ge [sflag:s5], $0x10  }
0x20: {  	[sflag:s5] =	ssyncset.done $0x0  }
0x21: {  	[sflag:s5] =	ssyncadd.s32 $0xFFFFFFF0  }
0x22: {  	[tilespmem:s7], [sflag:$0x1] =	stream.indirect.gather [hbm4b:s1+s7], $0x1, s4, s7, $0xb8;
	[tilespmem:$0x30] =	vst v63  }
0x23: {  	_ = 	snop  }
0x24: {  	[tilespmem:s8], [sflag:$0x2] =	stream.indirect.gather [hbm4b:s3+s7], $0x1, s4, s7, $0xb8;
	[tilespmem:$0x30] =	vst v63  }
0x25: {  	_ =	swait.ge [sflag:s9], $0x10  }
0x26: {  	[sflag:s9] =	ssyncset.done $0x0  }
0x27: {  	[sflag:s9] =	ssyncadd.s32 $0xFFFFFFF0  }
0x28: {  	_ =	swait.ge [sflag:s10], $0x10  }
0x29: {  	[sflag:s10] =	ssyncset.done $0x0  }
0x2a: {  	[sflag:s10] =	ssyncadd.s32 $0xFFFFFFF0  }
0x2b: {  	[hbm4b:s11+s4] =	stream.linear.scatter [tilespmem:s7], [sflag:$0x3], $0x10, $0x38;
	[tilespmem:$0x30] =	vst v63  }
0x2c: {  	_ =	swait.ge [sflag:s5], $0x10  }
.Ltmp1:
0x2d: {  	[sflag:s5] =	ssyncset.done $0x0;
	(pc) =	sbr.rel @p0 .LBB2_1-.Ltmp1, $4  }
0x2e: {  	[sflag:s5] =	ssyncadd.s32 $0xFFFFFFF0  }
0x2f: {  	[hbm4b:s12+s4] =	stream.linear.scatter [tilespmem:s8], [sflag:$0x3], $0x10, $0x38;
	[tilespmem:$0x30] =	vst v63  }
0x30: {  	_ =	swait.ge [sflag:s5], $0x10  }
0x31: {  	[sflag:s5] =	ssyncset.done $0x0  }
.LBB2_2:
0x32: {  	[sflag:s5] =	ssyncadd.s32 $0xFFFFFFF0  }
0x33: {  	_ =	sfence.sel $0x180000  }
0x34: {  	[bflag:$0x0] =	sbarrier.arrive $0xFFFF  }
0x35: {  	p0 =	sne.s32 s2, $0x0;
	_ =	strace $0x90000047  }
0x36: {  	s0 =	sadd.s32 @!p0 $0x100000, s0;
	[bflag:$0x2] =	sbarrier.arrive $0xFFFF  }
0x37: {  	[sflag:s0] =	ssyncadd.tile.s32 @!p0 $0x1;
	_ =	shalt  }
.Lfunc_end2:
_tile_overlayer_lowered:
.L_overlay_start_2:
0x38: {  	(tag) =	ssettag $0x2  }
0x39: {  	s0 =	rddreg [dreg:$0x0];
	s2 =	stileid.u32  }
0x3a: {  	s1 =	rddreg [dreg:$0x1];
	p0 =	sne.s32 s2, $0x0  }
0x3b: {  	s3 =	rddreg [dreg:$0x2];
	[bflag:$0x3] =	sbarrier.arrive $0xFFFF;
	s2 =	simm.s32 @!p0 $0x1C03  }
0x3c: {  	[timem:s3], [sflag:s2] =	dma.local @!p0 [hbm:s0], s1  }
0x3d: {  	s0 =	simm.s32 @!p0 $0x3  }
0x3e: {  	_ =	swait.ge @!p0 [sflag:s0], s1  }
0x3f: {  	s1 =	ssub.s32 @!p0 $0x0, s1;
	[sflag:s0] =	ssyncset.done @!p0 $0x0  }
0x40: {  	[sflag:s0] =	ssyncadd.s32 @!p0 s1  }
0x41: {  	[bflag:$0x3] =	sbarrier.arrive $0xFFFF  }
0x42: {  	_ =	shalt  }

</sc_bundles>
